<compile_context>
chip_gen: v7x
topology: tpu7x:2x2x1
jax: 0.10.2.dev20260603
libtpu: 0.0.44.dev20260713+nightly
codegen_flags: <defaults>
</compile_context>

<pallas_src>
import functools

import jax
import jax.numpy as jnp
from jax import lax
from jax.experimental import pallas as pl
from jax.experimental.pallas import tpu as pltpu, tpu_sc as plsc

B = 4096
N = 16384
NNZ = 12300
LANES = 16
NNZP = ((NNZ + LANES - 1) // LANES) * LANES
CHUNKS = NNZP // LANES

NUM_CORES = 2
NUM_SUBCORES = 16
NW = NUM_CORES * NUM_SUBCORES
ROWS_PER_W = B // NW
PAIRS_PER_W = ROWS_PER_W // 2


def _sc_kernel(x_hbm, w3_hbm, b_hbm, vel_hbm, ji_hbm, out_hbm,
               jiref, vref, bias_v, x0, x1, o0, o1,
               sx0, sx1, so0, so1):
    wid = lax.axis_index("s") * NUM_CORES + lax.axis_index("c")
    base_row = wid * ROWS_PER_W

    pltpu.sync_copy(ji_hbm, jiref)
    pltpu.sync_copy(w3_hbm, vref)
    pltpu.sync_copy(vel_hbm, x0)
    pltpu.sync_copy(b_hbm, bias_v)

    @plsc.parallel_loop(0, CHUNKS, unroll=4)
    def _(c):
        s = pl.ds(c * LANES, LANES)
        j = jiref[s] & (N - 1)
        g = plsc.load_gather(x0, [j])
        vref[s] = vref[s] * g

    xbufs, obufs = (x0, x1), (o0, o1)
    xsems, osems = (sx0, sx1), (so0, so1)

    pltpu.async_copy(x_hbm.at[base_row], x0, sx0)

    def pair_body(it, carry):
        for bslot in range(2):
            r = base_row + it * 2 + bslot
            xb, ob = xbufs[bslot], obufs[bslot]
            xs, os_ = xsems[bslot], osems[bslot]

            pltpu.make_async_copy(x_hbm.at[r], xb, xs).wait()

            @pl.when(it * 2 + bslot + 1 < ROWS_PER_W)
            def _():
                pltpu.async_copy(
                    x_hbm.at[r + 1], xbufs[1 - bslot], xsems[1 - bslot])

            @pl.when(it >= 1)
            def _():
                pltpu.make_async_copy(ob, out_hbm.at[r - 2], os_).wait()

            @plsc.parallel_loop(0, N // LANES, unroll=8)
            def _(c):
                s = pl.ds(c * LANES, LANES)
                ob[s] = bias_v[s]

            @plsc.parallel_loop(0, CHUNKS, unroll=4)
            def _(c):
                s = pl.ds(c * LANES, LANES)
                ji = jiref[s]
                v = vref[s]
                j = ji & (N - 1)
                i = lax.shift_right_logical(ji, 14)
                g = plsc.load_gather(xb, [j])
                plsc.addupdate_scatter(ob, [i], v * g)

            pltpu.async_copy(ob, out_hbm.at[r], os_)
        return carry

    lax.fori_loop(0, PAIRS_PER_W, pair_body, 0)

    pltpu.make_async_copy(o0, out_hbm.at[base_row + ROWS_PER_W - 2], so0).wait()
    pltpu.make_async_copy(o1, out_hbm.at[base_row + ROWS_PER_W - 1], so1).wait()


_mesh = plsc.VectorSubcoreMesh(core_axis_name="c", subcore_axis_name="s")

_call = functools.partial(
    pl.kernel,
    mesh=_mesh,
    out_type=jax.ShapeDtypeStruct((B, N), jnp.float32),
    compiler_params=pltpu.CompilerParams(needs_layout_passes=False),
    scratch_types=[
        pltpu.VMEM((NNZP,), jnp.int32),
        pltpu.VMEM((NNZP,), jnp.float32),
        pltpu.VMEM((N,), jnp.float32),
        pltpu.VMEM((N,), jnp.float32),
        pltpu.VMEM((N,), jnp.float32),
        pltpu.VMEM((N,), jnp.float32),
        pltpu.VMEM((N,), jnp.float32),
        pltpu.SemaphoreType.DMA,
        pltpu.SemaphoreType.DMA,
        pltpu.SemaphoreType.DMA,
        pltpu.SemaphoreType.DMA,
    ],
)(_sc_kernel)


def kernel(inputs, W3, b, velocity, I, J):
    pad = NNZP - NNZ
    ji = I * N + J
    ji_p = jnp.concatenate([ji, jnp.zeros((pad,), jnp.int32)])
    w_p = jnp.concatenate([W3, jnp.zeros((pad,), jnp.float32)])
    return _call(inputs, w_p, b, velocity, ji_p)

# --- scband reference (transcript-rebuilt; emitter-appended) ---
"""Pipeline reference for scband-utop-layer-11295763988480 (READ-ONLY COPY).

The authoritative reference and input builder live on the scoring server;
editing this copy changes nothing except your own understanding.
"""

import jax, jax.numpy as jnp
import numpy as np

B = 4096
N = 16384  # input_dim == output_dim
NNZ = 12300  # hardcoded in the original build()


def setup_inputs(seed: int = 0) -> dict:
    key = jax.random.key(seed)
    k1, k2, k3, k4, k5 = jax.random.split(key, 5)
    inputs = jax.random.normal(k1, (B, N), dtype=jnp.float32)
    # truncnorm(-2*std, 2*std, loc=0, scale=std=0.01)
    W3 = jax.random.truncated_normal(k2, -2.0, 2.0, (NNZ,), dtype=jnp.float32) * 0.01
    b = jnp.zeros((N,), dtype=jnp.float32)
    # stands in for 1250 * velocity[2, :] loaded from CSV
    velocity = jax.random.uniform(k3, (N,), dtype=jnp.float32) * 1250.0
    # stands in for (I, J) = wind.nonzero(); nonzero() yields row-major (lexicographically
    # sorted) indices, so sort I to mimic a valid tf.SparseTensor ordering
    I = jnp.sort(jax.random.randint(k4, (NNZ,), 0, N, dtype=jnp.int32))
    J = jax.random.randint(k5, (NNZ,), 0, N, dtype=jnp.int32)
    return {"inputs": inputs, "W3": W3, "b": b, "velocity": velocity, "I": I, "J": J}


def reference(inputs, W3, b, velocity, I, J):
    # sparse_w3 = SparseTensor(indices=(I,J), values=W3, shape=[N, N])
    # sp_w3 = sparse_w3 * velocity  (broadcast over columns -> scale value (i,j) by velocity[j])
    vals = W3 * jnp.take(velocity, J, axis=0)  # [NNZ]
    # result = (sp_w3 @ inputs^T)^T + b
    gathered = jnp.take(inputs, J, axis=1)      # [B, NNZ]
    contrib = vals[:, None] * gathered.T        # [NNZ, B]
    out = jax.ops.segment_sum(contrib, I, num_segments=inputs.shape[1])  # [N, B]
    return out.T + b                             # [B, N]

if __name__ == "__main__":
    import jax
    _d = setup_inputs()
    print(jax.jit(kernel)(*tuple(_d.values())))

</pallas_src>

<mosaic_0001>
#map = affine_map<(d0, d1) -> (0, 0)>
#map1 = affine_map<(d0, d1) -> (0)>
module attributes {stable_mosaic.version = 14 : i64} {
  func.func @_sc_kernel(%arg0: i32, %arg1: i32, %arg2: memref<4096x16384xf32, #tpu.memory_space<hbm>>, %arg3: memref<12304xf32, #tpu.memory_space<hbm>>, %arg4: memref<16384xf32, #tpu.memory_space<hbm>>, %arg5: memref<16384xf32, #tpu.memory_space<hbm>>, %arg6: memref<12304xi32, #tpu.memory_space<hbm>>, %arg7: memref<4096x16384xf32, #tpu.memory_space<hbm>>, %arg8: memref<12304xi32, #tpu.memory_space<vmem>>, %arg9: memref<12304xf32, #tpu.memory_space<vmem>>, %arg10: memref<16384xf32, #tpu.memory_space<vmem>>, %arg11: memref<16384xf32, #tpu.memory_space<vmem>>, %arg12: memref<16384xf32, #tpu.memory_space<vmem>>, %arg13: memref<16384xf32, #tpu.memory_space<vmem>>, %arg14: memref<16384xf32, #tpu.memory_space<vmem>>, %arg15: memref<!tpu.dma_semaphore, #tpu.memory_space<semaphore_mem>>, %arg16: memref<!tpu.dma_semaphore, #tpu.memory_space<semaphore_mem>>, %arg17: memref<!tpu.dma_semaphore, #tpu.memory_space<semaphore_mem>>, %arg18: memref<!tpu.dma_semaphore, #tpu.memory_space<semaphore_mem>>) attributes {dimension_semantics = [#tpu.dimension_semantics<core_parallel>, #tpu.dimension_semantics<subcore_parallel>], iteration_bounds = array<i64: 2, 16>, scalar_prefetch = 0 : i64, scratch_operands = 11 : i64, tpu.core_type = #tpu.core_type<sc_vector_subcore>, window_params = [{transform_indices = #map}, {transform_indices = #map1}, {transform_indices = #map1}, {transform_indices = #map1}, {transform_indices = #map1}, {transform_indices = #map}]} {
    %mul3A = arith.constant 2 : i32
    %mul3A_0 = arith.muli %arg1, %mul3A : i32
    %add3A = arith.addi %mul3A_0, %arg0 : i32
    %mul3A_1 = arith.constant 128 : i32
    %mul3A_2 = arith.muli %add3A, %mul3A_1 : i32
    "tpu.region"() ({
      %run_scoped3A = tpu.sem_alloc : memref<!tpu.dma_semaphore, #tpu.memory_space<semaphore_mem>>
      tpu.enqueue_dma source(%arg6 : memref<12304xi32, #tpu.memory_space<hbm>>) target(%arg8 : memref<12304xi32, #tpu.memory_space<vmem>>) target_semaphore(%run_scoped3A : memref<!tpu.dma_semaphore, #tpu.memory_space<semaphore_mem>>)
      tpu.wait_dma2 semaphore(%run_scoped3A : memref<!tpu.dma_semaphore, #tpu.memory_space<semaphore_mem>>) src(%arg6 : memref<12304xi32, #tpu.memory_space<hbm>>) dst(%arg8 : memref<12304xi32, #tpu.memory_space<vmem>>)
      tpu.yield
    }) : () -> ()
    "tpu.region"() ({
      %run_scoped3A = tpu.sem_alloc : memref<!tpu.dma_semaphore, #tpu.memory_space<semaphore_mem>>
      tpu.enqueue_dma source(%arg3 : memref<12304xf32, #tpu.memory_space<hbm>>) target(%arg9 : memref<12304xf32, #tpu.memory_space<vmem>>) target_semaphore(%run_scoped3A : memref<!tpu.dma_semaphore, #tpu.memory_space<semaphore_mem>>)
      tpu.wait_dma2 semaphore(%run_scoped3A : memref<!tpu.dma_semaphore, #tpu.memory_space<semaphore_mem>>) src(%arg3 : memref<12304xf32, #tpu.memory_space<hbm>>) dst(%arg9 : memref<12304xf32, #tpu.memory_space<vmem>>)
      tpu.yield
    }) : () -> ()
    "tpu.region"() ({
      %run_scoped3A = tpu.sem_alloc : memref<!tpu.dma_semaphore, #tpu.memory_space<semaphore_mem>>
      tpu.enqueue_dma source(%arg5 : memref<16384xf32, #tpu.memory_space<hbm>>) target(%arg11 : memref<16384xf32, #tpu.memory_space<vmem>>) target_semaphore(%run_scoped3A : memref<!tpu.dma_semaphore, #tpu.memory_space<semaphore_mem>>)
      tpu.wait_dma2 semaphore(%run_scoped3A : memref<!tpu.dma_semaphore, #tpu.memory_space<semaphore_mem>>) src(%arg5 : memref<16384xf32, #tpu.memory_space<hbm>>) dst(%arg11 : memref<16384xf32, #tpu.memory_space<vmem>>)
      tpu.yield
    }) : () -> ()
    "tpu.region"() ({
      %run_scoped3A = tpu.sem_alloc : memref<!tpu.dma_semaphore, #tpu.memory_space<semaphore_mem>>
      tpu.enqueue_dma source(%arg4 : memref<16384xf32, #tpu.memory_space<hbm>>) target(%arg10 : memref<16384xf32, #tpu.memory_space<vmem>>) target_semaphore(%run_scoped3A : memref<!tpu.dma_semaphore, #tpu.memory_space<semaphore_mem>>)
      tpu.wait_dma2 semaphore(%run_scoped3A : memref<!tpu.dma_semaphore, #tpu.memory_space<semaphore_mem>>) src(%arg4 : memref<16384xf32, #tpu.memory_space<hbm>>) dst(%arg10 : memref<16384xf32, #tpu.memory_space<vmem>>)
      tpu.yield
    }) : () -> ()
    %parallel_loop3A = arith.constant 0 : i32
    %parallel_loop3A_3 = arith.constant 769 : i32
    %parallel_loop3A_4 = arith.constant 1 : i32
    scf.for %parallel_loop3A_33 = %parallel_loop3A to %parallel_loop3A_3 step %parallel_loop3A_4  : i32 {
      %parallel_loop3A_34 = arith.constant 16 : i32
      %parallel_loop3A_35 = arith.muli %parallel_loop3A_33, %parallel_loop3A_34 : i32
      %parallel_loop3A_36 = arith.index_cast %parallel_loop3A_35 : i32 to index
      %parallel_loop3A_37 = tpu.vector_load %arg8[%parallel_loop3A_36] {strides = array<i32>} : memref<12304xi32, #tpu.memory_space<vmem>>, vector<16xi32>,
      %parallel_loop3A_38 = arith.constant 16383 : i32
      %parallel_loop3A_39 = vector.broadcast %parallel_loop3A_38 : i32 to vector<16xi32>
      %parallel_loop3A_40 = arith.andi %parallel_loop3A_37, %parallel_loop3A_39 : vector<16xi32>
      %parallel_loop3A_41 = tpu.vector_load_idx %arg11[%parallel_loop3A_40] : memref<16384xf32, #tpu.memory_space<vmem>>[vector<16xi32>], vector<16xf32>,
      %parallel_loop3A_42 = arith.index_cast %parallel_loop3A_35 : i32 to index
      %parallel_loop3A_43 = tpu.vector_load %arg9[%parallel_loop3A_42] {strides = array<i32>} : memref<12304xf32, #tpu.memory_space<vmem>>, vector<16xf32>,
      %parallel_loop3A_44 = arith.mulf %parallel_loop3A_43, %parallel_loop3A_41 : vector<16xf32>
      %parallel_loop3A_45 = arith.index_cast %parallel_loop3A_35 : i32 to index
      %parallel_loop3A_46 = tpu.vector_load %arg9[%parallel_loop3A_45] {strides = array<i32>} : memref<12304xf32, #tpu.memory_space<vmem>>, vector<16xf32>,
      tpu.vector_store %arg9[%parallel_loop3A_45], %parallel_loop3A_44 {strides = array<i32>} : memref<12304xf32, #tpu.memory_space<vmem>>, vector<16xf32>,
    } {sc.loop_unroll_factor = 4 : i64, sc.parallel_access}
    %dma_start3A = arith.constant 0 : i32
    %dma_start3A_5 = tpu.memref_slice %arg2[%mul3A_2, %dma_start3A] : memref<4096x16384xf32, #tpu.memory_space<hbm>> -> memref<1x16384xf32, #tpu.memory_space<hbm>>
    %dma_start3A_6 = tpu.memref_squeeze %dma_start3A_5 : memref<1x16384xf32, #tpu.memory_space<hbm>> -> memref<16384xf32, #tpu.memory_space<hbm>>
    %dma_start3A_7 = arith.constant 0 : i32
    %dma_start3A_8 = tpu.memref_slice %arg2[%mul3A_2, %dma_start3A_7] : memref<4096x16384xf32, #tpu.memory_space<hbm>> -> memref<1x16384xf32, #tpu.memory_space<hbm>>
    %dma_start3A_9 = tpu.memref_squeeze %dma_start3A_8 : memref<1x16384xf32, #tpu.memory_space<hbm>> -> memref<16384xf32, #tpu.memory_space<hbm>>
    tpu.enqueue_dma source(%dma_start3A_9 : memref<16384xf32, #tpu.memory_space<hbm>>) target(%arg11 : memref<16384xf32, #tpu.memory_space<vmem>>) target_semaphore(%arg15 : memref<!tpu.dma_semaphore, #tpu.memory_space<semaphore_mem>>)
    %scan3A = arith.constant 0 : i32
    %scan3A_10 = arith.constant 0 : i32
    %scan3A_11 = arith.constant 64 : i32
    %scan3A_12 = arith.addi %scan3A_10, %scan3A_11 : i32
    %scan3A_13 = arith.constant 1 : i32
    scf.for %scan3A_33 = %scan3A_10 to %scan3A_12 step %scan3A_13  : i32 {
      %mul3A_34 = arith.constant 2 : i32
      %mul3A_35 = arith.muli %scan3A_33, %mul3A_34 : i32
      %add3A_36 = arith.addi %mul3A_2, %mul3A_35 : i32
      %add3A_37 = arith.constant 0 : i32
      %add3A_38 = arith.addi %add3A_36, %add3A_37 : i32
      %dma_wait3A_39 = arith.constant 0 : i32
      %dma_wait3A_40 = tpu.memref_slice %arg2[%add3A_38, %dma_wait3A_39] : memref<4096x16384xf32, #tpu.memory_space<hbm>> -> memref<1x16384xf32, #tpu.memory_space<hbm>>
      %dma_wait3A_41 = tpu.memref_squeeze %dma_wait3A_40 : memref<1x16384xf32, #tpu.memory_space<hbm>> -> memref<16384xf32, #tpu.memory_space<hbm>>
      %dma_wait3A_42 = arith.constant 0 : i32
      %dma_wait3A_43 = tpu.memref_slice %arg2[%add3A_38, %dma_wait3A_42] : memref<4096x16384xf32, #tpu.memory_space<hbm>> -> memref<1x16384xf32, #tpu.memory_space<hbm>>
      %dma_wait3A_44 = tpu.memref_squeeze %dma_wait3A_43 : memref<1x16384xf32, #tpu.memory_space<hbm>> -> memref<16384xf32, #tpu.memory_space<hbm>>
      tpu.wait_dma2 semaphore(%arg15 : memref<!tpu.dma_semaphore, #tpu.memory_space<semaphore_mem>>) src(%dma_wait3A_44 : memref<16384xf32, #tpu.memory_space<hbm>>) dst(%arg11 : memref<16384xf32, #tpu.memory_space<vmem>>)
      %mul3A_45 = arith.constant 2 : i32
      %mul3A_46 = arith.muli %scan3A_33, %mul3A_45 : i32
      %add3A_47 = arith.constant 0 : i32
      %add3A_48 = arith.addi %mul3A_46, %add3A_47 : i32
      %add3A_49 = arith.constant 1 : i32
      %add3A_50 = arith.addi %add3A_48, %add3A_49 : i32
      %lt3A = arith.constant 128 : i32
      %lt3A_51 = arith.cmpi slt, %add3A_50, %lt3A : i32
      %convert_element_type3A = arith.extui %lt3A_51 : i1 to i32
      %cond3A = arith.constant 0 : i32
      %cond3A_52 = arith.cmpi ne, %convert_element_type3A, %cond3A : i32
      scf.if %cond3A_52 {
        %add3A_108 = arith.constant 1 : i32
        %add3A_109 = arith.addi %add3A_38, %add3A_108 : i32
        %dma_start3A_110 = arith.constant 0 : i32
        %dma_start3A_111 = tpu.memref_slice %arg2[%add3A_109, %dma_start3A_110] : memref<4096x16384xf32, #tpu.memory_space<hbm>> -> memref<1x16384xf32, #tpu.memory_space<hbm>>
        %dma_start3A_112 = tpu.memref_squeeze %dma_start3A_111 : memref<1x16384xf32, #tpu.memory_space<hbm>> -> memref<16384xf32, #tpu.memory_space<hbm>>
        %dma_start3A_113 = arith.constant 0 : i32
        %dma_start3A_114 = tpu.memref_slice %arg2[%add3A_109, %dma_start3A_113] : memref<4096x16384xf32, #tpu.memory_space<hbm>> -> memref<1x16384xf32, #tpu.memory_space<hbm>>
        %dma_start3A_115 = tpu.memref_squeeze %dma_start3A_114 : memref<1x16384xf32, #tpu.memory_space<hbm>> -> memref<16384xf32, #tpu.memory_space<hbm>>
        tpu.enqueue_dma source(%dma_start3A_115 : memref<16384xf32, #tpu.memory_space<hbm>>) target(%arg12 : memref<16384xf32, #tpu.memory_space<vmem>>) target_semaphore(%arg16 : memref<!tpu.dma_semaphore, #tpu.memory_space<semaphore_mem>>)
      } else {
      }
      %ge3A = arith.constant 1 : i32
      %ge3A_53 = arith.cmpi sge, %scan3A_33, %ge3A : i32
      %convert_element_type3A_54 = arith.extui %ge3A_53 : i1 to i32
      %cond3A_55 = arith.constant 0 : i32
      %cond3A_56 = arith.cmpi ne, %convert_element_type3A_54, %cond3A_55 : i32
      scf.if %cond3A_56 {
        %sub3A_108 = arith.constant 2 : i32
        %sub3A_109 = arith.subi %add3A_38, %sub3A_108 : i32
        %dma_wait3A_110 = arith.constant 0 : i32
        %dma_wait3A_111 = tpu.memref_slice %arg7[%sub3A_109, %dma_wait3A_110] : memref<4096x16384xf32, #tpu.memory_space<hbm>> -> memref<1x16384xf32, #tpu.memory_space<hbm>>
        %dma_wait3A_112 = tpu.memref_squeeze %dma_wait3A_111 : memref<1x16384xf32, #tpu.memory_space<hbm>> -> memref<16384xf32, #tpu.memory_space<hbm>>
        %dma_wait3A_113 = arith.constant 0 : i32
        %dma_wait3A_114 = tpu.memref_slice %arg7[%sub3A_109, %dma_wait3A_113] : memref<4096x16384xf32, #tpu.memory_space<hbm>> -> memref<1x16384xf32, #tpu.memory_space<hbm>>
        %dma_wait3A_115 = tpu.memref_squeeze %dma_wait3A_114 : memref<1x16384xf32, #tpu.memory_space<hbm>> -> memref<16384xf32, #tpu.memory_space<hbm>>
        tpu.wait_dma2 semaphore(%arg17 : memref<!tpu.dma_semaphore, #tpu.memory_space<semaphore_mem>>) src(%arg13 : memref<16384xf32, #tpu.memory_space<vmem>>) dst(%dma_wait3A_115 : memref<16384xf32, #tpu.memory_space<hbm>>)
      } else {
      }
      %parallel_loop3A_57 = arith.constant 0 : i32
      %parallel_loop3A_58 = arith.constant 1024 : i32
      %parallel_loop3A_59 = arith.constant 1 : i32
      scf.for %parallel_loop3A_108 = %parallel_loop3A_57 to %parallel_loop3A_58 step %parallel_loop3A_59  : i32 {
        %parallel_loop3A_109 = arith.constant 16 : i32
        %parallel_loop3A_110 = arith.muli %parallel_loop3A_108, %parallel_loop3A_109 : i32
        %parallel_loop3A_111 = arith.index_cast %parallel_loop3A_110 : i32 to index
        %parallel_loop3A_112 = tpu.vector_load %arg10[%parallel_loop3A_111] {strides = array<i32>} : memref<16384xf32, #tpu.memory_space<vmem>>, vector<16xf32>,
        %parallel_loop3A_113 = arith.index_cast %parallel_loop3A_110 : i32 to index
        %parallel_loop3A_114 = tpu.vector_load %arg13[%parallel_loop3A_113] {strides = array<i32>} : memref<16384xf32, #tpu.memory_space<vmem>>, vector<16xf32>,
        tpu.vector_store %arg13[%parallel_loop3A_113], %parallel_loop3A_112 {strides = array<i32>} : memref<16384xf32, #tpu.memory_space<vmem>>, vector<16xf32>,
      } {sc.loop_unroll_factor = 8 : i64, sc.parallel_access}
      %parallel_loop3A_60 = arith.constant 0 : i32
      %parallel_loop3A_61 = arith.constant 769 : i32
      %parallel_loop3A_62 = arith.constant 1 : i32
      scf.for %parallel_loop3A_108 = %parallel_loop3A_60 to %parallel_loop3A_61 step %parallel_loop3A_62  : i32 {
        %parallel_loop3A_109 = arith.constant 16 : i32
        %parallel_loop3A_110 = arith.muli %parallel_loop3A_108, %parallel_loop3A_109 : i32
        %parallel_loop3A_111 = arith.index_cast %parallel_loop3A_110 : i32 to index
        %parallel_loop3A_112 = tpu.vector_load %arg8[%parallel_loop3A_111] {strides = array<i32>} : memref<12304xi32, #tpu.memory_space<vmem>>, vector<16xi32>,
        %parallel_loop3A_113 = arith.index_cast %parallel_loop3A_110 : i32 to index
        %parallel_loop3A_114 = tpu.vector_load %arg9[%parallel_loop3A_113] {strides = array<i32>} : memref<12304xf32, #tpu.memory_space<vmem>>, vector<16xf32>,
        %parallel_loop3A_115 = arith.constant 16383 : i32
        %parallel_loop3A_116 = vector.broadcast %parallel_loop3A_115 : i32 to vector<16xi32>
        %parallel_loop3A_117 = arith.andi %parallel_loop3A_112, %parallel_loop3A_116 : vector<16xi32>
        %parallel_loop3A_118 = arith.constant 14 : i32
        %parallel_loop3A_119 = vector.broadcast %parallel_loop3A_118 : i32 to vector<16xi32>
        %parallel_loop3A_120 = arith.shrui %parallel_loop3A_112, %parallel_loop3A_119 : vector<16xi32>
        %parallel_loop3A_121 = tpu.vector_load_idx %arg11[%parallel_loop3A_117] : memref<16384xf32, #tpu.memory_space<vmem>>[vector<16xi32>], vector<16xf32>,
        %parallel_loop3A_122 = arith.mulf %parallel_loop3A_114, %parallel_loop3A_121 : vector<16xf32>
        tpu.vector_store_idx %arg13[%parallel_loop3A_120], %parallel_loop3A_122 {add = true} : memref<16384xf32, #tpu.memory_space<vmem>>[vector<16xi32>], vector<16xf32>,
      } {sc.loop_unroll_factor = 4 : i64, sc.parallel_access}
      %dma_start3A_63 = arith.constant 0 : i32
      %dma_start3A_64 = tpu.memref_slice %arg7[%add3A_38, %dma_start3A_63] : memref<4096x16384xf32, #tpu.memory_space<hbm>> -> memref<1x16384xf32, #tpu.memory_space<hbm>>
      %dma_start3A_65 = tpu.memref_squeeze %dma_start3A_64 : memref<1x16384xf32, #tpu.memory_space<hbm>> -> memref<16384xf32, #tpu.memory_space<hbm>>
      %dma_start3A_66 = arith.constant 0 : i32
      %dma_start3A_67 = tpu.memref_slice %arg7[%add3A_38, %dma_start3A_66] : memref<4096x16384xf32, #tpu.memory_space<hbm>> -> memref<1x16384xf32, #tpu.memory_space<hbm>>
      %dma_start3A_68 = tpu.memref_squeeze %dma_start3A_67 : memref<1x16384xf32, #tpu.memory_space<hbm>> -> memref<16384xf32, #tpu.memory_space<hbm>>
      tpu.enqueue_dma source(%arg13 : memref<16384xf32, #tpu.memory_space<vmem>>) target(%dma_start3A_68 : memref<16384xf32, #tpu.memory_space<hbm>>) target_semaphore(%arg17 : memref<!tpu.dma_semaphore, #tpu.memory_space<semaphore_mem>>)
      %mul3A_69 = arith.constant 2 : i32
      %mul3A_70 = arith.muli %scan3A_33, %mul3A_69 : i32
      %add3A_71 = arith.addi %mul3A_2, %mul3A_70 : i32
      %add3A_72 = arith.constant 1 : i32
      %add3A_73 = arith.addi %add3A_71, %add3A_72 : i32
      %dma_wait3A_74 = arith.constant 0 : i32
      %dma_wait3A_75 = tpu.memref_slice %arg2[%add3A_73, %dma_wait3A_74] : memref<4096x16384xf32, #tpu.memory_space<hbm>> -> memref<1x16384xf32, #tpu.memory_space<hbm>>
      %dma_wait3A_76 = tpu.memref_squeeze %dma_wait3A_75 : memref<1x16384xf32, #tpu.memory_space<hbm>> -> memref<16384xf32, #tpu.memory_space<hbm>>
      %dma_wait3A_77 = arith.constant 0 : i32
      %dma_wait3A_78 = tpu.memref_slice %arg2[%add3A_73, %dma_wait3A_77] : memref<4096x16384xf32, #tpu.memory_space<hbm>> -> memref<1x16384xf32, #tpu.memory_space<hbm>>
      %dma_wait3A_79 = tpu.memref_squeeze %dma_wait3A_78 : memref<1x16384xf32, #tpu.memory_space<hbm>> -> memref<16384xf32, #tpu.memory_space<hbm>>
      tpu.wait_dma2 semaphore(%arg16 : memref<!tpu.dma_semaphore, #tpu.memory_space<semaphore_mem>>) src(%dma_wait3A_79 : memref<16384xf32, #tpu.memory_space<hbm>>) dst(%arg12 : memref<16384xf32, #tpu.memory_space<vmem>>)
      %mul3A_80 = arith.constant 2 : i32
      %mul3A_81 = arith.muli %scan3A_33, %mul3A_80 : i32
      %add3A_82 = arith.constant 1 : i32
      %add3A_83 = arith.addi %mul3A_81, %add3A_82 : i32
      %add3A_84 = arith.constant 1 : i32
      %add3A_85 = arith.addi %add3A_83, %add3A_84 : i32
      %lt3A_86 = arith.constant 128 : i32
      %lt3A_87 = arith.cmpi slt, %add3A_85, %lt3A_86 : i32
      %convert_element_type3A_88 = arith.extui %lt3A_87 : i1 to i32
      %cond3A_89 = arith.constant 0 : i32
      %cond3A_90 = arith.cmpi ne, %convert_element_type3A_88, %cond3A_89 : i32
      scf.if %cond3A_90 {
        %add3A_108 = arith.constant 1 : i32
        %add3A_109 = arith.addi %add3A_73, %add3A_108 : i32
        %dma_start3A_110 = arith.constant 0 : i32
        %dma_start3A_111 = tpu.memref_slice %arg2[%add3A_109, %dma_start3A_110] : memref<4096x16384xf32, #tpu.memory_space<hbm>> -> memref<1x16384xf32, #tpu.memory_space<hbm>>
        %dma_start3A_112 = tpu.memref_squeeze %dma_start3A_111 : memref<1x16384xf32, #tpu.memory_space<hbm>> -> memref<16384xf32, #tpu.memory_space<hbm>>
        %dma_start3A_113 = arith.constant 0 : i32
        %dma_start3A_114 = tpu.memref_slice %arg2[%add3A_109, %dma_start3A_113] : memref<4096x16384xf32, #tpu.memory_space<hbm>> -> memref<1x16384xf32, #tpu.memory_space<hbm>>
        %dma_start3A_115 = tpu.memref_squeeze %dma_start3A_114 : memref<1x16384xf32, #tpu.memory_space<hbm>> -> memref<16384xf32, #tpu.memory_space<hbm>>
        tpu.enqueue_dma source(%dma_start3A_115 : memref<16384xf32, #tpu.memory_space<hbm>>) target(%arg11 : memref<16384xf32, #tpu.memory_space<vmem>>) target_semaphore(%arg15 : memref<!tpu.dma_semaphore, #tpu.memory_space<semaphore_mem>>)
      } else {
      }
      %ge3A_91 = arith.constant 1 : i32
      %ge3A_92 = arith.cmpi sge, %scan3A_33, %ge3A_91 : i32
      %convert_element_type3A_93 = arith.extui %ge3A_92 : i1 to i32
      %cond3A_94 = arith.constant 0 : i32
      %cond3A_95 = arith.cmpi ne, %convert_element_type3A_93, %cond3A_94 : i32
      scf.if %cond3A_95 {
        %sub3A_108 = arith.constant 2 : i32
        %sub3A_109 = arith.subi %add3A_73, %sub3A_108 : i32
        %dma_wait3A_110 = arith.constant 0 : i32
        %dma_wait3A_111 = tpu.memref_slice %arg7[%sub3A_109, %dma_wait3A_110] : memref<4096x16384xf32, #tpu.memory_space<hbm>> -> memref<1x16384xf32, #tpu.memory_space<hbm>>
        %dma_wait3A_112 = tpu.memref_squeeze %dma_wait3A_111 : memref<1x16384xf32, #tpu.memory_space<hbm>> -> memref<16384xf32, #tpu.memory_space<hbm>>
        %dma_wait3A_113 = arith.constant 0 : i32
        %dma_wait3A_114 = tpu.memref_slice %arg7[%sub3A_109, %dma_wait3A_113] : memref<4096x16384xf32, #tpu.memory_space<hbm>> -> memref<1x16384xf32, #tpu.memory_space<hbm>>
        %dma_wait3A_115 = tpu.memref_squeeze %dma_wait3A_114 : memref<1x16384xf32, #tpu.memory_space<hbm>> -> memref<16384xf32, #tpu.memory_space<hbm>>
        tpu.wait_dma2 semaphore(%arg18 : memref<!tpu.dma_semaphore, #tpu.memory_space<semaphore_mem>>) src(%arg14 : memref<16384xf32, #tpu.memory_space<vmem>>) dst(%dma_wait3A_115 : memref<16384xf32, #tpu.memory_space<hbm>>)
      } else {
      }
      %parallel_loop3A_96 = arith.constant 0 : i32
      %parallel_loop3A_97 = arith.constant 1024 : i32
      %parallel_loop3A_98 = arith.constant 1 : i32
      scf.for %parallel_loop3A_108 = %parallel_loop3A_96 to %parallel_loop3A_97 step %parallel_loop3A_98  : i32 {
        %parallel_loop3A_109 = arith.constant 16 : i32
        %parallel_loop3A_110 = arith.muli %parallel_loop3A_108, %parallel_loop3A_109 : i32
        %parallel_loop3A_111 = arith.index_cast %parallel_loop3A_110 : i32 to index
        %parallel_loop3A_112 = tpu.vector_load %arg10[%parallel_loop3A_111] {strides = array<i32>} : memref<16384xf32, #tpu.memory_space<vmem>>, vector<16xf32>,
        %parallel_loop3A_113 = arith.index_cast %parallel_loop3A_110 : i32 to index
        %parallel_loop3A_114 = tpu.vector_load %arg14[%parallel_loop3A_113] {strides = array<i32>} : memref<16384xf32, #tpu.memory_space<vmem>>, vector<16xf32>,
        tpu.vector_store %arg14[%parallel_loop3A_113], %parallel_loop3A_112 {strides = array<i32>} : memref<16384xf32, #tpu.memory_space<vmem>>, vector<16xf32>,
      } {sc.loop_unroll_factor = 8 : i64, sc.parallel_access}
      %parallel_loop3A_99 = arith.constant 0 : i32
      %parallel_loop3A_100 = arith.constant 769 : i32
      %parallel_loop3A_101 = arith.constant 1 : i32
      scf.for %parallel_loop3A_108 = %parallel_loop3A_99 to %parallel_loop3A_100 step %parallel_loop3A_101  : i32 {
        %parallel_loop3A_109 = arith.constant 16 : i32
        %parallel_loop3A_110 = arith.muli %parallel_loop3A_108, %parallel_loop3A_109 : i32
        %parallel_loop3A_111 = arith.index_cast %parallel_loop3A_110 : i32 to index
        %parallel_loop3A_112 = tpu.vector_load %arg8[%parallel_loop3A_111] {strides = array<i32>} : memref<12304xi32, #tpu.memory_space<vmem>>, vector<16xi32>,
        %parallel_loop3A_113 = arith.index_cast %parallel_loop3A_110 : i32 to index
        %parallel_loop3A_114 = tpu.vector_load %arg9[%parallel_loop3A_113] {strides = array<i32>} : memref<12304xf32, #tpu.memory_space<vmem>>, vector<16xf32>,
        %parallel_loop3A_115 = arith.constant 16383 : i32
        %parallel_loop3A_116 = vector.broadcast %parallel_loop3A_115 : i32 to vector<16xi32>
        %parallel_loop3A_117 = arith.andi %parallel_loop3A_112, %parallel_loop3A_116 : vector<16xi32>
        %parallel_loop3A_118 = arith.constant 14 : i32
        %parallel_loop3A_119 = vector.broadcast %parallel_loop3A_118 : i32 to vector<16xi32>
        %parallel_loop3A_120 = arith.shrui %parallel_loop3A_112, %parallel_loop3A_119 : vector<16xi32>
        %parallel_loop3A_121 = tpu.vector_load_idx %arg12[%parallel_loop3A_117] : memref<16384xf32, #tpu.memory_space<vmem>>[vector<16xi32>], vector<16xf32>,
        %parallel_loop3A_122 = arith.mulf %parallel_loop3A_114, %parallel_loop3A_121 : vector<16xf32>
        tpu.vector_store_idx %arg14[%parallel_loop3A_120], %parallel_loop3A_122 {add = true} : memref<16384xf32, #tpu.memory_space<vmem>>[vector<16xi32>], vector<16xf32>,
      } {sc.loop_unroll_factor = 4 : i64, sc.parallel_access}
      %dma_start3A_102 = arith.constant 0 : i32
      %dma_start3A_103 = tpu.memref_slice %arg7[%add3A_73, %dma_start3A_102] : memref<4096x16384xf32, #tpu.memory_space<hbm>> -> memref<1x16384xf32, #tpu.memory_space<hbm>>
      %dma_start3A_104 = tpu.memref_squeeze %dma_start3A_103 : memref<1x16384xf32, #tpu.memory_space<hbm>> -> memref<16384xf32, #tpu.memory_space<hbm>>
      %dma_start3A_105 = arith.constant 0 : i32
      %dma_start3A_106 = tpu.memref_slice %arg7[%add3A_73, %dma_start3A_105] : memref<4096x16384xf32, #tpu.memory_space<hbm>> -> memref<1x16384xf32, #tpu.memory_space<hbm>>
      %dma_start3A_107 = tpu.memref_squeeze %dma_start3A_106 : memref<1x16384xf32, #tpu.memory_space<hbm>> -> memref<16384xf32, #tpu.memory_space<hbm>>
      tpu.enqueue_dma source(%arg14 : memref<16384xf32, #tpu.memory_space<vmem>>) target(%dma_start3A_107 : memref<16384xf32, #tpu.memory_space<hbm>>) target_semaphore(%arg18 : memref<!tpu.dma_semaphore, #tpu.memory_space<semaphore_mem>>)
    }
    %scan3A_14 = arith.constant 64 : i32
    %add3A_15 = arith.constant 128 : i32
    %add3A_16 = arith.addi %mul3A_2, %add3A_15 : i32
    %sub3A = arith.constant 2 : i32
    %sub3A_17 = arith.subi %add3A_16, %sub3A : i32
    %dma_wait3A = arith.constant 0 : i32
    %dma_wait3A_18 = tpu.memref_slice %arg7[%sub3A_17, %dma_wait3A] : memref<4096x16384xf32, #tpu.memory_space<hbm>> -> memref<1x16384xf32, #tpu.memory_space<hbm>>
    %dma_wait3A_19 = tpu.memref_squeeze %dma_wait3A_18 : memref<1x16384xf32, #tpu.memory_space<hbm>> -> memref<16384xf32, #tpu.memory_space<hbm>>
    %dma_wait3A_20 = arith.constant 0 : i32
    %dma_wait3A_21 = tpu.memref_slice %arg7[%sub3A_17, %dma_wait3A_20] : memref<4096x16384xf32, #tpu.memory_space<hbm>> -> memref<1x16384xf32, #tpu.memory_space<hbm>>
    %dma_wait3A_22 = tpu.memref_squeeze %dma_wait3A_21 : memref<1x16384xf32, #tpu.memory_space<hbm>> -> memref<16384xf32, #tpu.memory_space<hbm>>
    tpu.wait_dma2 semaphore(%arg17 : memref<!tpu.dma_semaphore, #tpu.memory_space<semaphore_mem>>) src(%arg13 : memref<16384xf32, #tpu.memory_space<vmem>>) dst(%dma_wait3A_22 : memref<16384xf32, #tpu.memory_space<hbm>>)
    %add3A_23 = arith.constant 128 : i32
    %add3A_24 = arith.addi %mul3A_2, %add3A_23 : i32
    %sub3A_25 = arith.constant 1 : i32
    %sub3A_26 = arith.subi %add3A_24, %sub3A_25 : i32
    %dma_wait3A_27 = arith.constant 0 : i32
    %dma_wait3A_28 = tpu.memref_slice %arg7[%sub3A_26, %dma_wait3A_27] : memref<4096x16384xf32, #tpu.memory_space<hbm>> -> memref<1x16384xf32, #tpu.memory_space<hbm>>
    %dma_wait3A_29 = tpu.memref_squeeze %dma_wait3A_28 : memref<1x16384xf32, #tpu.memory_space<hbm>> -> memref<16384xf32, #tpu.memory_space<hbm>>
    %dma_wait3A_30 = arith.constant 0 : i32
    %dma_wait3A_31 = tpu.memref_slice %arg7[%sub3A_26, %dma_wait3A_30] : memref<4096x16384xf32, #tpu.memory_space<hbm>> -> memref<1x16384xf32, #tpu.memory_space<hbm>>
    %dma_wait3A_32 = tpu.memref_squeeze %dma_wait3A_31 : memref<1x16384xf32, #tpu.memory_space<hbm>> -> memref<16384xf32, #tpu.memory_space<hbm>>
    tpu.wait_dma2 semaphore(%arg18 : memref<!tpu.dma_semaphore, #tpu.memory_space<semaphore_mem>>) src(%arg14 : memref<16384xf32, #tpu.memory_space<vmem>>) dst(%dma_wait3A_32 : memref<16384xf32, #tpu.memory_space<hbm>>)
    return
  }
}

</mosaic_0001>

<sc_bundles>
// kernel: kernel.3.cloned.1.call-start
scs
__scs_entry_jumppad:
0x0: {  	(pc) =	sbr.rel $0x88, $3  }
0x1: {  	(tag) =	ssettag $0x0;
	lr =	simm.s32 $0x1  }
0x2: {  	[smem:$0x3F9B] =	sst lr;
	_ =	strace $0xD0000000  }
0x3: {  	_ = 	snop  }
0x4: {  	_ = 	snop  }
0x5: {  	_ = 	snop  }
0x6: {  	_ = 	snop  }
0x7: {  	_ = 	snop  }
__scs_overlays_trampoline_lowered:
0x8: {  	[smem:$0x3FAA] =	sst s0  }
0x9: {  	[smem:$0x3FAB] =	sst s1  }
0xa: {  	[smem:$0x3FAC] =	sst s2  }
0xb: {  	[smem:$0x3FAD] =	sst s3  }
0xc: {  	[smem:$0x3FAE] =	sst s4  }
0xd: {  	[smem:$0x3FAF] =	sst s5  }
0xe: {  	[smem:$0x3FB0] =	sst s6  }
0xf: {  	[smem:$0x3FB1] =	sst s7  }
0x10: {  	[smem:$0x3FB2] =	sst s8  }
0x11: {  	[smem:$0x3FB3] =	sst s9;
	s0 =	simm.s32 @!p0 $0x0  }
0x12: {  	s1 =	sld [smem:$0x3F99];
	s0 =	simm.s32 @p0 $0x1  }
0x13: {  	[smem:$0x3FB4] =	sst s0;
	s0 =	simm.s32 @!p1 $0x0  }
0x14: {  	s2 =	sld [smem:$0x3F98];
	s0 =	simm.s32 @p1 $0x1  }
0x15: {  	[smem:$0x3FB5] =	sst s0;
	s0 =	simm.s32 @!p2 $0x0  }
0x16: {  	s3 =	sld [smem:$0x3FDB];
	s0 =	simm.s32 @p2 $0x1  }
0x17: {  	s4 =	simm.s32 $0x1BF5;
	[smem:$0x3FB7] =	sst s0  }
0x18: {  	s0 =	sld [smem:$0x3F9A];
	_ =	swait.ge [sflag:s4], $0x0  }
0x19: {  	s7 =	sld [smem:$0x3F9B]  }
0x1a: {  	s8 =	sadd.s32 $0xFFFFE003, lr  }
0x1b: {  	s9 =	sadd.s32 $0xFFFFFEF7, lr;
	s5 =	simm.s32 $0xFFFFFFFF;
	p2 =	slt.u32 s8, $0xFFFFF086  }
0x1c: {  	p1 =	slt.u32 s9, $0xF7A;
	s5 =	simm.s32 @!p2 $0x0  }
0x1d: {  	s5 =	simm.s32 @p1 $0x1;
	p0 =	seq.s32 s7, s2  }
0x1e: {  	s7 =	smul.u32 @!p0 $0xF7A, s2;
	p2 =	seq.s32 @!p0 s5, $0x0  }
0x1f: {  	s9 =	smul.u32 $0xF7A, s1;
	s8 =	simm.s32 @!p0 $0x1BF5;
	p2 =	por !p2, p0  }
0x20: {  	[sflag:s8] =	ssyncset.s32 @!p0 $0xFFFFF086;
	s6 =	sadd.s32 @!p0 s3, s7;
	s7 =	simm.s32 @!p0 $0x108  }
0x21: {  	s3 =	sadd.s32 s3, s9;
	s6 =	sadd.s32 @!p0 $0x88, s6;
	s7 =	simm.s32 @p2 $0x1082  }
0x22: {  	[simem:s7], [sflag:s8] =	dma.local @!p0 [hbm:s6], $0xF7A  }
0x23: {  	s9 =	sor.u32 $0xD0000000, s2;
	s6 =	simm.s32 $0x108;
	_ =	swait.ge @!p0 [sflag:s8], $0x0  }
0x24: {  	s3 =	sadd.s32 $0x88, s3;
	s6 =	simm.s32 @!p1 $0x1082;
	[sflag:s4] =	ssyncset.s32 $0xFFFFF086  }
0x25: {  	[simem:s6], [sflag:s4] =	dma.local [hbm:s3], $0xF7A  }
0x26: {  	[smem:$0x3F9B] =	sst s1;
	(tag) =	ssettag s2;
	_ =	strace s9  }
0x27: {  	s1 =	sld [smem:$0x3FAB]  }
0x28: {  	s2 =	sld [smem:$0x3FAC]  }
0x29: {  	s4 =	sld [smem:$0x3FAE]  }
0x2a: {  	p0 =	seq.s32 s5, $0x0;
	s5 =	sld [smem:$0x3FAF]  }
0x2b: {  	s6 =	sld [smem:$0x3FB0]  }
0x2c: {  	s7 =	sld [smem:$0x3FB1]  }
0x2d: {  	s3 =	simm.s32 $0x108;
	s8 =	sld [smem:$0x3FB2]  }
0x2e: {  	s3 =	simm.s32 @!p0 $0x1082;
	s9 =	sld [smem:$0x3FB3]  }
0x2f: {  	lr =	sadd.s32 s0, s3;
	s0 =	sld [smem:$0x3FAA]  }
0x30: {  	s3 =	sld [smem:$0x3FAD]  }
0x31: {  	[smem:$0x3FB6] =	sst s10  }
0x32: {  	s10 =	sld [smem:$0x3FB4];
	_ =	sdelay $0x3  }
0x33: {  	p0 =	seq.s32 s10, $0x1;
	s10 =	sld [smem:$0x3FB6];
	_ =	sdelay $0x3  }
0x34: {  	[smem:$0x3FB6] =	sst s10  }
0x35: {  	s10 =	sld [smem:$0x3FB5];
	_ =	sdelay $0x3  }
0x36: {  	p1 =	seq.s32 s10, $0x1;
	s10 =	sld [smem:$0x3FB6];
	_ =	sdelay $0x3  }
0x37: {  	[smem:$0x3FB6] =	sst s10  }
0x38: {  	s10 =	sld [smem:$0x3FB7]  }
0x39: {  	_ = 	snop;
	(pc) =	sbr.ind lr, $3  }
0x3a: {  	_ = 	snop  }
0x3b: {  	_ = 	snop  }
0x3c: {  	p2 =	seq.s32 s10, $0x1;
	s10 =	sld [smem:$0x3FB6]  }
0x3d: {  	_ =	shalt  }
0x3e: {  	_ =	shalt  }
0x3f: {  	_ =	shalt  }
0x40: {  	_ =	shalt  }
0x41: {  	_ =	shalt  }
0x42: {  	_ =	shalt  }
0x43: {  	_ =	shalt  }
0x44: {  	_ =	shalt  }
0x45: {  	_ =	shalt  }
0x46: {  	_ =	shalt  }
0x47: {  	_ =	shalt  }
0x48: {  	_ =	shalt  }
0x49: {  	_ =	shalt  }
0x4a: {  	_ =	shalt  }
0x4b: {  	_ =	shalt  }
0x4c: {  	_ =	shalt  }
0x4d: {  	_ =	shalt  }
0x4e: {  	_ =	shalt  }
0x4f: {  	_ =	shalt  }
0x50: {  	_ =	shalt  }
0x51: {  	_ =	shalt  }
0x52: {  	_ =	shalt  }
0x53: {  	_ =	shalt  }
0x54: {  	_ =	shalt  }
0x55: {  	_ =	shalt  }
0x56: {  	_ =	shalt  }
0x57: {  	_ =	shalt  }
0x58: {  	_ =	shalt  }
0x59: {  	_ =	shalt  }
0x5a: {  	_ =	shalt  }
0x5b: {  	_ =	shalt  }
0x5c: {  	_ =	shalt  }
0x5d: {  	_ =	shalt  }
0x5e: {  	_ =	shalt  }
0x5f: {  	_ =	shalt  }
0x60: {  	_ =	shalt  }
0x61: {  	_ =	shalt  }
0x62: {  	_ =	shalt  }
0x63: {  	_ =	shalt  }
0x64: {  	_ =	shalt  }
0x65: {  	_ =	shalt  }
0x66: {  	_ =	shalt  }
0x67: {  	_ =	shalt  }
0x68: {  	_ =	shalt  }
0x69: {  	_ =	shalt  }
0x6a: {  	_ =	shalt  }
0x6b: {  	_ =	shalt  }
0x6c: {  	_ =	shalt  }
0x6d: {  	_ =	shalt  }
0x6e: {  	_ =	shalt  }
0x6f: {  	_ =	shalt  }
0x70: {  	_ =	shalt  }
0x71: {  	_ =	shalt  }
0x72: {  	_ =	shalt  }
0x73: {  	_ =	shalt  }
0x74: {  	_ =	shalt  }
0x75: {  	_ =	shalt  }
0x76: {  	_ =	shalt  }
0x77: {  	_ =	shalt  }
0x78: {  	_ =	shalt  }
0x79: {  	_ =	shalt  }
0x7a: {  	_ =	shalt  }
0x7b: {  	_ =	shalt  }
0x7c: {  	_ =	shalt  }
0x7d: {  	_ =	shalt  }
0x7e: {  	_ =	shalt  }
0x7f: {  	_ =	shalt  }
0x80: {  	_ =	shalt  }
0x81: {  	_ =	shalt  }
0x82: {  	_ =	shalt  }
0x83: {  	_ =	shalt  }
0x84: {  	_ =	shalt  }
0x85: {  	_ =	shalt  }
0x86: {  	_ =	shalt  }
0x87: {  	_ =	shalt  }
.Lfunc_end0:
.L_simem_size_0:
called_computation_lowered:
.L_overlay_start_0:
0x88: {  	s2 =	sld [smem:$0x3FD9]  }
0x89: {  	s3 =	sld [smem:$0x3FFE];
	_ =	sdelay $0x1  }
0x8a: {  	s1 =	srdreg.scid  }
0x8b: {  	s0 =	sand.u32 $0x1, s1  }
0x8c: {  	s17 =	sshll.u32 s0, $0xA;
	s2 =	sadd.s32 s3, s2  }
0x8d: {  	s2 =	sadd.s32 s2, s17  }
0x8e: {  	[smem:$0x3FC2] =	sst s2  }
0x8f: {  	_ = 	snop  }
0x90: {  	s2 =	sld [smem:$0x3FC9]  }
0x91: {  	s18 =	sld [smem:$0x3FC7]  }
0x92: {  	s4 =	sld [smem:$0x3FC6]  }
0x93: {  	s5 =	sld [smem:$0x3FD0];
	(tm) =	ssettm $0x1  }
0x94: {  	s6 =	sld [smem:$0x3FFB];
	_ =	sdelay $0x3  }
0x95: {  	_ =	strace s6  }
0x96: {  	s6 =	sld [smem:$0x3FFC];
	_ =	sdelay $0x3  }
0x97: {  	_ =	strace s6  }
0x98: {  	s6 =	sld [smem:$0x3FFD];
	_ =	sdelay $0x3  }
0x99: {  	_ =	strace s6  }
0x9a: {  	_ =	strace $0x8FFFFFFF  }
0x9b: {  	s19 =	sld [smem:$0x3FDB];
	_ =	sdelay $0x1  }
0x9c: {  	s7 =	simm.s32 $_scs_section_size  }
0x9d: {  	s8 =	simm.s32 $_size__tile_overlayer_lowered;
	s9 =	simm.s32 $_tile_overlayer_lowered  }
0x9e: {  	s22 =	simm.s32 $0x1BFF;
	s21 =	sshll.u32 s9, $0x1;
	s6 =	sadd.s32 s7, s19  }
0x9f: {  	s10 =	simm.s32 $0x0;
	s20 =	sshll.u32 s8, $0x1;
	s8 =	sadd.s32 s21, s6  }
0xa0: {  	[timem:s10], [sflag:s22] =	dma.local [hbm:s8], s20  }
0xa1: {  	_ =	swait.ge [sflag:s22], s20  }
0xa2: {  	s7 =	ssub.s32 $0x0, s20;
	[sflag:s22] =	ssyncset.done $0x0  }
0xa3: {  	[sflag:s22] =	ssyncadd.s32 s7;
	_ =	sdelay $0x1  }
0xa4: {  	s23 =	simm.s32 $0x1B8B  }
0xa5: {  	_ =	swait.ge [sflag:s23], $0x1  }
0xa6: {  	[sflag:s23] =	ssyncset.done $0x0  }
0xa7: {  	s25 =	simm.s32 $0x1B8E;
	s24 =	sld [smem:$0x3FFE];
	[sflag:s23] =	ssyncadd.s32 $0xFFFFFFFF  }
0xa8: {  	s26 =	simm.s32 $execute0_lowered;
	[smem:$0x3FD2] =	sst s25  }
0xa9: {  	s8 =	sshll.u32 s26, $0x1;
	_ =	strace $0x80000046;
	[dreg:$0x1] =	wrdreg $0xFFFFFFFF  }
0xaa: {  	s28 =	simm.s32 $_size_execute0_lowered;
	s6 =	sadd.s32 s6, s8;
	[dreg:$0x0] =	wrdreg $0x0  }
0xab: {  	s8 =	sshll.u32 s28, $0x1;
	[dreg:$0x2] =	wrdreg s6  }
0xac: {  	[dreg:$0x3] =	wrdreg s8  }
0xad: {  	[dreg:$0x4] =	wrdreg $0xC0  }
0xae: {  	_ =	task [dreg:s10], $0x5FFFF  }
0xaf: {  	[dreg:$0x1] =	wrdreg $0xFFFFFFFF  }
0xb0: {  	[dreg:$0x0] =	wrdreg $0x60  }
0xb1: {  	[dreg:$0x2] =	wrdreg s2  }
0xb2: {  	[dreg:$0x3] =	wrdreg s24  }
0xb3: {  	[dreg:$0x4] =	wrdreg s18  }
0xb4: {  	[dreg:$0x5] =	wrdreg s4  }
0xb5: {  	[dreg:$0x6] =	wrdreg s5  }
0xb6: {  	[dreg:$0x7] =	wrdreg $0x9  }
0xb7: {  	_ =	task.clear_ibuf [dreg:s10], $0x8FFFF;
	_ =	strace $0x90000046  }
0xb8: {  	s29 =	simm.s32 $0x9;
	_ =	strace $0x80000048  }
0xb9: {  	_ =	swait.ge [sflag:s29], $0x1  }
0xba: {  	[sflag:s29] =	ssyncadd.s32 $0xFFFFFFFF  }
0xbb: {  	_ =	strace $0x90000048  }
0xbc: {  	_ =	sfence  }
0xbd: {  	s30 =	sld [smem:$0x0];
	_ =	sdelay $0x2  }
0xbe: {  	s31 =	sshll.u32 s1, $0xD;
	s1 =	sshrl.u32 s1, $0x2  }
0xbf: {  	s3 =	sand.u32 $0x4000, s31;
	s1 =	sadd.s32 s1, s30  }
0xc0: {  	s0 =	sor.u32 s3, s0;
	s1 =	sshll.u32 s1, $0x11  }
0xc1: {  	s0 =	sor.u32 s1, s0  }
0xc2: {  	s0 =	sadd.s32 $0x8F2B, s0  }
0xc3: {  	[sflag:s0] =	ssyncadd.remote.s32 $0x1  }
0xc4: {  	_ =	sfence.sel $0xFFFF  }
0xc5: {  	[dreg:$0x0] =	wrdreg $0xFFFFFFFF;
	(pc) =	sbr.abs _section_cstart, $3  }
0xc6: {  	[dreg:$0x1] =	wrdreg $0xFFFFFFFF  }
0xc7: {  	_ =	task.clear_ibuf [dreg:s10], $0x2FFFF;
	_ =	strace $0x9FFFFFFF  }
0xc8: {  	(tm) =	ssettm $0x7FFFFFFF  }
0xc9: {  	_ =	shalt  }
tec
execute0_lowered:
.L_overlay_start_1:
0x0: {  	(tag) =	ssettag $0x1  }
0x1: {  	s1 =	rddreg [dreg:$0x0]  }
0x2: {  	s0 =	rddreg [dreg:$0x1]  }
0x3: {  	s5 =	rddreg [dreg:$0x4]  }
0x4: {  	s2 =	srdreg.scid;
	s6 =	simm.s32 $0x0;
	s3 =	stileid.u32  }
0x5: {  	s12 =	simm.s32 $0x5;
	s14 =	simm.s32 $0xA100;
	s15 =	simm.s32 $0x6100  }
0x6: {  	s16 =	simm.s32 $0x80;
	s17 =	simm.s32 $0x400;
	s18 =	simm.s32 $0x1  }
0x7: {  	s19 =	simm.s32 $0xE100;
	s20 =	simm.s32 $0x12100;
	s21 =	simm.s32 $0x2  }
0x8: {  	s22 =	simm.s32 $0x16100;
	s23 =	simm.s32 $0x3;
	s24 =	simm.s32 $0x4  }
0x9: {  	s25 =	simm.s32 $0x0;
	s2 =	sand.u32 $0x1, s2;
	[smem:$0x7FF] =	sst s6  }
0xa: {  	s3 =	sshll.u32 s3, $0x8;
	s4 =	sshll.u32 s2, $0x7;
	s2 =	ssub.s32 $0x2, s2  }
0xb: {  	s8 =	sadd.s32 $0x400, s0;
	s7 =	sor.u32 s4, s3;
	s30 =	sshrl.u32 s2, $0x1  }
0xc: {  	s9 =	sadd.s32 $0xC00, s0;
	s4 =	sshll.u32 s7, $0xB;
	s31 =	ssub.s32 s2, s30  }
0xd: {  	_ =	strace $0x80000047;
	s10 =	sadd.s32 s1, s4;
	s11 =	smax.u32 s31, $0x1  }
.LBB2_1:
0xe: {  	[tilespmem:s6], [sflag:$0x5] =	stream.linear.gather [hbm4b:s9+s6], $0x3080, $0x38;
	[tilespmem:$0x1A100] =	vst v63  }
0xf: {  	_ =	swait.ge [sflag:s12], $0x3080  }
0x10: {  	[sflag:s12] =	ssyncset.done $0x0  }
0x11: {  	s0 =	simm.s32 $0x3080;
	[sflag:s12] =	ssyncadd.s32 $0xFFFFCF80  }
0x12: {  	[tilespmem:s0], [sflag:$0x5] =	stream.linear.gather [hbm4b:s8+s6], $0x3080, $0x38;
	[tilespmem:$0x1A100] =	vst v63  }
0x13: {  	_ =	swait.ge [sflag:s12], $0x3080  }
0x14: {  	[sflag:s12] =	ssyncset.done $0x0  }
0x15: {  	[sflag:s12] =	ssyncadd.s32 $0xFFFFCF80  }
0x16: {  	s28 =	rddreg [dreg:$0x3]  }
0x17: {  	[tilespmem:s14], [sflag:$0x5] =	stream.linear.gather [hbm4b:s28+s6], $0x4000, $0x38;
	[tilespmem:$0x1A100] =	vst v63  }
0x18: {  	_ =	swait.ge [sflag:s12], $0x4000  }
0x19: {  	[sflag:s12] =	ssyncset.done $0x0  }
0x1a: {  	[sflag:s12] =	ssyncadd.s32 $0xFFFFC000  }
0x1b: {  	s29 =	rddreg [dreg:$0x2]  }
0x1c: {  	[tilespmem:s15], [sflag:$0x5] =	stream.linear.gather [hbm4b:s29+s6], $0x4000, $0x38;
	[tilespmem:$0x1A100] =	vst v63  }
0x1d: {  	_ =	swait.ge [sflag:s12], $0x4000  }
0x1e: {  	[sflag:s12] =	ssyncset.done $0x0  }
0x1f: {  	s30 =	simm.s32 $0x20;
	[sflag:s12] =	ssyncadd.s32 $0xFFFFC000  }
0x20: {  	v0 =	vld [tilespmem:s30+$0x10];
	_ =	sdelay $0x2  }
0x21: {  	v1 =	vld [tilespmem:s30+$0xFFFFFFE0]  }
0x22: {  	v2 =	vld [tilespmem:s30+$0xFFFFFFF0]  }
0x23: {  	s26 =	simm.s32 $0x30A0;
	v3 =	vld [tilespmem:s30+$0x0];
	v0 =	vand.u32 $0x3FFF, v0  }
0x24: {  	s31 =	simm.s32 $0x60;
	v5 =	vld [tilespmem:s26+$0x10]  }
0x25: {  	v6 =	vld [tilespmem:s31+$0x10]  }
0x26: {  	v9 =	vld [tilespmem:s31+$0xFFFFFFF0]  }
0x27: {  	v10 =	vld [tilespmem:s31+$0x0]  }
0x28: {  	v4 =	vld.idx.msk [tilespmem:v0+s14+$0x0], $0xffff;
	v0 =	vand.u32 $0x3FFF, v1  }
0x29: {  	v11 =	vld [tilespmem:s31+$0xFFFFFFE0];
	v2 =	vand.u32 $0x3FFF, v2  }
0x2a: {  	v8 =	vld [tilespmem:s26+$0xFFFFFFE0];
	v3 =	vand.u32 $0x3FFF, v3  }
0x2b: {  	v7 =	vld [tilespmem:s26+$0xFFFFFFF0];
	v12 =	vand.u32 $0x3FFF, v6  }
0x2c: {  	v6 =	vld [tilespmem:s26+$0x0]  }
0x2d: {  	v1 =	vld.idx.msk [tilespmem:v0+s14+$0x0], $0xffff  }
0x2e: {  	v2 =	vld.idx.msk [tilespmem:v2+s14+$0x0], $0xffff  }
0x2f: {  	v0 =	vld.idx.msk [tilespmem:v3+s14+$0x0], $0xffff;
	v4 =	vmul.f32 v5, v4  }
0x30: {  	s0 =	simm.s32 $0x30E0;
	v5 =	vld.idx.msk [tilespmem:v12+s14+$0x0], $0xffff  }
0x31: {  	s2 =	simm.s32 $0x4;
	s4 =	simm.s32 $0xA0;
	v3 =	vand.u32 $0x3FFF, v9;
	v9 =	vld [tilespmem:s0+$0x10];
	[tilespmem:s26+$0x10] =	vst v4;
	v4 =	vand.u32 $0x3FFF, v10;
	v10 =	vand.u32 $0x3FFF, v11  }
.LBB2_2:
0x32: {  	v11 =	vld [tilespmem:s4+$0x10];
	s2 =	sadd.s32 $0x4, s2;
	v1 =	vmul.f32 v8, v1  }
0x33: {  	v8 =	vld [tilespmem:s4+$0xFFFFFFF0];
	p0 =	slt.u32 s2, $0x2FC;
	v2 =	vmul.f32 v7, v2  }
0x34: {  	v7 =	vld [tilespmem:s4+$0x0];
	[tilespmem:s26+$0xFFFFFFE0] =	vst v1;
	v0 =	vmul.f32 v6, v0  }
0x35: {  	v6 =	vld [tilespmem:s4+$0xFFFFFFE0];
	[tilespmem:s26+$0xFFFFFFF0] =	vst v2  }
0x36: {  	v1 =	vld.idx.msk [tilespmem:v10+s14+$0x0], $0xffff;
	v5 =	vmul.f32 v9, v5;
	[tilespmem:s26+$0x0] =	vst v0;
	s26 =	smov.u32 s0  }
0x37: {  	v9 =	vand.u32 $0x3FFF, v11;
	v2 =	vld.idx.msk [tilespmem:v3+s14+$0x0], $0xffff  }
0x38: {  	v3 =	vand.u32 $0x3FFF, v8;
	v0 =	vld.idx.msk [tilespmem:v4+s14+$0x0], $0xffff;
	[tilespmem:s0+$0x10] =	vst v5  }
.Ltmp0:
0x39: {  	v4 =	vand.u32 $0x3FFF, v7;
	v8 =	vld [tilespmem:s0+$0xFFFFFFE0];
	(pc) =	sbr.rel @p0 .LBB2_2-.Ltmp0, $4  }
0x3a: {  	v10 =	vand.u32 $0x3FFF, v6;
	v7 =	vld [tilespmem:s0+$0xFFFFFFF0]  }
0x3b: {  	v6 =	vld [tilespmem:s0+$0x0]  }
0x3c: {  	s0 =	sadd.s32 $0x40, s0;
	v5 =	vld.idx.msk [tilespmem:v9+s14+$0x0], $0xffff  }
0x3d: {  	s4 =	sadd.s32 $0x40, s4;
	v9 =	vld [tilespmem:s0+$0x10]  }
0x3e: {  	_ =	sdelay $0x3  }
0x3f: {  	v10 =	vld.idx.msk [tilespmem:v10+s14+$0x0], $0xffff  }
0x40: {  	v3 =	vld.idx.msk [tilespmem:v3+s14+$0x0], $0xffff  }
0x41: {  	v4 =	vld.idx.msk [tilespmem:v4+s14+$0x0], $0xffff  }
0x42: {  	v11 =	vld [tilespmem:s0+$0xFFFFFFE0]  }
0x43: {  	v1 =	vmul.f32 v8, v1;
	v58 =	vld [tilespmem:s0+$0xFFFFFFF0]  }
0x44: {  	v59 =	vld [tilespmem:s0+$0x0];
	v2 =	vmul.f32 v7, v2  }
0x45: {  	[tilespmem:s26+$0xFFFFFFE0] =	vst v1;
	v0 =	vmul.f32 v6, v0  }
0x46: {  	[tilespmem:s26+$0xFFFFFFF0] =	vst v2;
	v60 =	vmul.f32 v9, v5  }
0x47: {  	[tilespmem:s26+$0x0] =	vst v0;
	v61 =	vmul.f32 v11, v10  }
0x48: {  	v62 =	vmul.f32 v58, v3;
	[tilespmem:s0+$0x10] =	vst v60  }
0x49: {  	v63 =	vmul.f32 v59, v4;
	[tilespmem:s0+$0xFFFFFFE0] =	vst v61  }
0x4a: {  	[tilespmem:s0+$0xFFFFFFF0] =	vst v62  }
0x4b: {  	[tilespmem:s0+$0x0] =	vst v63  }
0x4c: {  	v0 =	vld [tilespmem:$0x3000];
	_ =	sdelay $0x4  }
0x4d: {  	v0 =	vand.u32 $0x3FFF, v0;
	_ =	sdelay $0x3  }
0x4e: {  	v1 =	vld [tilespmem:$0x6080]  }
0x4f: {  	v0 =	vld.idx.msk [tilespmem:v0+s14+$0x0], $0xffff;
	_ =	sdelay $0x4  }
0x50: {  	v0 =	vmul.f32 v1, v0;
	_ =	sdelay $0x1  }
0x51: {  	s26 =	simm.s32 $0x0;
	[tilespmem:$0x6080] =	vst v0  }
0x52: {  	[tilespmem:s14], [sflag:$0x1] =	stream.strided.gather [hbm4b:s10+s16], $0x4000, s17, s16, $0x38;
	[tilespmem:$0x1A100] =	vst v63  }
.LBB2_4:
0x53: {  	s0 =	sshll.u32 s26, $0x1  }
0x54: {  	s29 =	sadd.s32 s7, s0  }
0x55: {  	s2 =	sshll.u32 s26, $0x5;
	s0 =	sshll.u32 s29, $0xB  }
0x56: {  	s31 =	sand.u32 $0x60, s2;
	s30 =	sand.u32 $0x7FC000, s0  }
0x57: {  	_ =	swait.ge [sflag:s18], $0x4000;
	s0 =	sor.u32 s31, s30  }
0x58: {  	[sflag:s18] =	ssyncset.done $0x0;
	s28 =	sor.u32 $0x10, s0  }
0x59: {  	p0 =	seq.s32 s26, $0x0;
	[sflag:s18] =	ssyncadd.s32 $0xFFFFC000;
	s0 =	sadd.s32 s1, s28  }
0x5a: {  	[tilespmem:s19], [sflag:$0x2] =	stream.strided.gather [hbm4b:s0+s16], $0x4000, s17, s16, $0x38;
	[tilespmem:$0x1A100] =	vst v63  }
0x5b: {  	s0 =	simm.s32 @!p0 $0x3  }
0x5c: {  	_ =	swait.ge @!p0 [sflag:s0], $0x4000  }
0x5d: {  	[sflag:s0] =	ssyncset.done @!p0 $0x0  }
0x5e: {  	s13 =	simm.s32 $0x6140;
	[sflag:s0] =	ssyncadd.s32 @!p0 $0xFFFFC000  }
0x5f: {  	v3 =	vld [tilespmem:s13+$0x30]  }
0x60: {  	v4 =	vld [tilespmem:s13+$0xFFFFFFD0]  }
0x61: {  	v5 =	vld [tilespmem:s13+$0xFFFFFFE0]  }
0x62: {  	v0 =	vld [tilespmem:s13+$0xFFFFFFF0]  }
0x63: {  	s0 =	simm.s32 $0x12140;
	v1 =	vld [tilespmem:s13+$0x0]  }
0x64: {  	v2 =	vld [tilespmem:s13+$0x10];
	[tilespmem:s0+$0x30] =	vst v3  }
0x65: {  	[tilespmem:s0+$0xFFFFFFD0] =	vst v4;
	v3 =	vld [tilespmem:s13+$0x20]  }
0x66: {  	s4 =	simm.s32 $0x0;
	s3 =	simm.s32 $0x61C0;
	v4 =	vld [tilespmem:s13+$0xFFFFFFC0];
	[tilespmem:s0+$0xFFFFFFE0] =	vst v5  }
.LBB2_5:
0x67: {  	v5 =	vld [tilespmem:s3+$0x30];
	s4 =	sadd.s32 $0x8, s4;
	[tilespmem:s0+$0xFFFFFFF0] =	vst v0  }
0x68: {  	v6 =	vld [tilespmem:s3+$0xFFFFFFD0];
	p0 =	slt.u32 s4, $0x3F8;
	[tilespmem:s0+$0x0] =	vst v1  }
0x69: {  	v7 =	vld [tilespmem:s3+$0xFFFFFFE0];
	[tilespmem:s0+$0x10] =	vst v2  }
.Ltmp1:
0x6a: {  	v0 =	vld [tilespmem:s3+$0xFFFFFFF0];
	[tilespmem:s0+$0x20] =	vst v3;
	(pc) =	sbr.rel @p0 .LBB2_5-.Ltmp1, $4  }
0x6b: {  	v1 =	vld [tilespmem:s3+$0x0];
	[tilespmem:s0+$0xFFFFFFC0] =	vst v4;
	s0 =	sadd.s32 $0x80, s0  }
0x6c: {  	s2 =	simm.s32 $0x30A0;
	s13 =	simm.s32 $0x20;
	v2 =	vld [tilespmem:s3+$0x10];
	[tilespmem:s0+$0x30] =	vst v5  }
0x6d: {  	[tilespmem:s0+$0xFFFFFFD0] =	vst v6;
	v3 =	vld [tilespmem:s3+$0x20]  }
0x6e: {  	v4 =	vld [tilespmem:s3+$0xFFFFFFC0];
	[tilespmem:s0+$0xFFFFFFE0] =	vst v7;
	s3 =	sadd.s32 $0x80, s3  }
0x6f: {  	[tilespmem:s0+$0xFFFFFFF0] =	vst v0  }
0x70: {  	[tilespmem:s0+$0x0] =	vst v1  }
0x71: {  	[tilespmem:s0+$0x10] =	vst v2  }
0x72: {  	[tilespmem:s0+$0x20] =	vst v3  }
0x73: {  	[tilespmem:s0+$0xFFFFFFC0] =	vst v4  }
0x74: {  	v0 =	vld [tilespmem:s13+$0x10];
	_ =	sdelay $0x1  }
0x75: {  	v2 =	vld [tilespmem:s13+$0xFFFFFFE0]  }
0x76: {  	v1 =	vld [tilespmem:s13+$0xFFFFFFF0]  }
0x77: {  	v7 =	vld [tilespmem:s13+$0x0]  }
0x78: {  	v6 =	vld [tilespmem:s2+$0x10];
	v3 =	vand.u32 $0x3FFF, v0  }
0x79: {  	v9 =	vld [tilespmem:s2+$0xFFFFFFE0]  }
0x7a: {  	s0 =	simm.s32 $0x30E0;
	v16 =	vld [tilespmem:s2+$0x0];
	v5 =	vand.u32 $0x3FFF, v2  }
0x7b: {  	s13 =	simm.s32 $0x60;
	v10 =	vld [tilespmem:s0+$0x10]  }
0x7c: {  	v12 =	vld [tilespmem:s13+$0x10]  }
0x7d: {  	v4 =	vand.u32 $0x3FFF, v1;
	v3 =	vld.idx.msk [tilespmem:v3+s14+$0x0], $0xffff  }
0x7e: {  	v14 =	vld [tilespmem:s13+$0xFFFFFFE0];
	v8 =	vand.u32 $0x3FFF, v7  }
0x7f: {  	v0 =	vshrl.u32 v0, $0xE;
	v5 =	vld.idx.msk [tilespmem:v5+s14+$0x0], $0xffff  }
0x80: {  	v11 =	vld [tilespmem:s13+$0xFFFFFFF0]  }
0x81: {  	v13 =	vld [tilespmem:s13+$0x0];
	v2 =	vshrl.u32 v2, $0xE  }
0x82: {  	v4 =	vld.idx.msk [tilespmem:v4+s14+$0x0], $0xffff;
	v3 =	vmul.f32 v3, v6;
	v6 =	vand.u32 $0x3FFF, v12  }
0x83: {  	v17 =	vand.u32 $0x3FFF, v14;
	v15 =	vld.idx.msk [tilespmem:v8+s14+$0x0], $0xffff  }
0x84: {  	[tilespmem:v0+s20+$0x0] =	vst.idx.add.f32.msk $0xffff, v3;
	v0 =	vmul.f32 v5, v9  }
0x85: {  	v3 =	vld [tilespmem:s2+$0xFFFFFFF0];
	v5 =	vand.u32 $0x3FFF, v11  }
0x86: {  	v8 =	vand.u32 $0x3FFF, v13;
	[tilespmem:v2+s20+$0x0] =	vst.idx.add.f32.msk $0xffff, v0  }
0x87: {  	v9 =	vld.idx.msk [tilespmem:v6+s14+$0x0], $0xffff  }
0x88: {  	v0 =	vshrl.u32 v11, $0xE;
	v11 =	vld.idx.msk [tilespmem:v17+s14+$0x0], $0xffff  }
0x89: {  	v12 =	vshrl.u32 v12, $0xE;
	v2 =	vshrl.u32 v1, $0xE;
	v1 =	vshrl.u32 v13, $0xE;
	v13 =	vld [tilespmem:s0+$0xFFFFFFE0]  }
0x8a: {  	v5 =	vld.idx.msk [tilespmem:v5+s14+$0x0], $0xffff;
	v6 =	vmul.f32 v4, v3  }
0x8b: {  	s4 =	simm.s32 $0x4;
	s2 =	simm.s32 $0xA0;
	v4 =	vld.idx.msk [tilespmem:v8+s14+$0x0], $0xffff;
	v3 =	vshrl.u32 v7, $0xE;
	v8 =	vshrl.u32 v14, $0xE;
	v7 =	vmul.f32 v15, v16  }
.LBB2_7:
0x8c: {  	v14 =	vld [tilespmem:s2+$0x10];
	s4 =	sadd.s32 $0x4, s4;
	v9 =	vmul.f32 v9, v10  }
0x8d: {  	v10 =	vld [tilespmem:s2+$0xFFFFFFF0];
	p0 =	slt.u32 s4, $0x2FC  }
0x8e: {  	[tilespmem:v12+s20+$0x0] =	vst.idx.add.f32.msk $0xffff, v9  }
0x8f: {  	v9 =	vld [tilespmem:s2+$0x0]  }
0x90: {  	v12 =	vld [tilespmem:s2+$0xFFFFFFE0];
	v11 =	vmul.f32 v11, v13  }
0x91: {  	v13 =	vand.u32 $0x3FFF, v14;
	v15 =	vld [tilespmem:s0+$0xFFFFFFF0]  }
0x92: {  	v16 =	vshrl.u32 v10, $0xE;
	v17 =	vand.u32 $0x3FFF, v10;
	v18 =	vld [tilespmem:s0+$0x0]  }
0x93: {  	[tilespmem:v8+s20+$0x0] =	vst.idx.add.f32.msk $0xffff, v11  }
0x94: {  	v10 =	vshrl.u32 v9, $0xE;
	v11 =	vand.u32 $0x3FFF, v9;
	[tilespmem:v2+s20+$0x0] =	vst.idx.add.f32.msk $0xffff, v6;
	v2 =	vmovc v0;
	v0 =	vmov v16  }
0x95: {  	v8 =	vshrl.u32 v12, $0xE;
	v16 =	vand.u32 $0x3FFF, v12;
	[tilespmem:v3+s20+$0x0] =	vst.idx.add.f32.msk $0xffff, v7;
	v3 =	vmovc v1;
	v1 =	vmov v10  }
0x96: {  	s0 =	sadd.s32 $0x40, s0;
	v9 =	vld.idx.msk [tilespmem:v13+s14+$0x0], $0xffff;
	v6 =	vmul.f32 v5, v15  }
.Ltmp2:
0x97: {  	v10 =	vld [tilespmem:s0+$0x10];
	v7 =	vmul.f32 v4, v18;
	(pc) =	sbr.rel @p0 .LBB2_7-.Ltmp2, $4  }
0x98: {  	v5 =	vld.idx.msk [tilespmem:v17+s14+$0x0], $0xffff  }
0x99: {  	v12 =	vshrl.u32 v14, $0xE;
	v4 =	vld.idx.msk [tilespmem:v11+s14+$0x0], $0xffff  }
0x9a: {  	v11 =	vld.idx.msk [tilespmem:v16+s14+$0x0], $0xffff  }
0x9b: {  	s2 =	sadd.s32 $0x40, s2;
	v13 =	vld [tilespmem:s0+$0xFFFFFFE0]  }
0x9c: {  	_ = 	snop  }
0x9d: {  	v14 =	vld [tilespmem:s0+$0xFFFFFFF0]  }
0x9e: {  	v63 =	vld [tilespmem:s0+$0x0];
	_ =	sdelay $0x1  }
0x9f: {  	v9 =	vmul.f32 v9, v10;
	[tilespmem:v2+s20+$0x0] =	vst.idx.add.f32.msk $0xffff, v6  }
0xa0: {  	[tilespmem:v3+s20+$0x0] =	vst.idx.add.f32.msk $0xffff, v7;
	v11 =	vmul.f32 v11, v13  }
0xa1: {  	[tilespmem:v12+s20+$0x0] =	vst.idx.add.f32.msk $0xffff, v9;
	v2 =	vmul.f32 v5, v14  }
0xa2: {  	v3 =	vmul.f32 v4, v63;
	[tilespmem:v8+s20+$0x0] =	vst.idx.add.f32.msk $0xffff, v11  }
0xa3: {  	[tilespmem:v0+s20+$0x0] =	vst.idx.add.f32.msk $0xffff, v2  }
0xa4: {  	[tilespmem:v1+s20+$0x0] =	vst.idx.add.f32.msk $0xffff, v3  }
0xa5: {  	v0 =	vld [tilespmem:$0x3000];
	_ =	sdelay $0x4  }
0xa6: {  	v1 =	vand.u32 $0x3FFF, v0;
	_ =	sdelay $0x3  }
0xa7: {  	v2 =	vld [tilespmem:$0x6080]  }
0xa8: {  	v1 =	vld.idx.msk [tilespmem:v1+s14+$0x0], $0xffff;
	_ =	sdelay $0x1  }
0xa9: {  	v0 =	vshrl.u32 v0, $0xE;
	_ =	sdelay $0x2  }
0xaa: {  	v1 =	vmul.f32 v1, v2  }
0xab: {  	s13 =	sadd.s32 s5, s31  }
0xac: {  	p0 =	seq.s32 s26, $0x3F;
	s0 =	sadd.s32 s30, s13;
	[tilespmem:v0+s20+$0x0] =	vst.idx.add.f32.msk $0xffff, v1  }
0xad: {  	[hbm4b:s0+s16] =	stream.strided.scatter [tilespmem:s20], [sflag:$0x3], $0x4000, s17, s16, $0x38;
	[tilespmem:$0x1A100] =	vst v63  }
0xae: {  	p1 =	seq.s32 @!p0 s26, $0x0;
	s0 =	sadd.s32 @!p0 $0x2, s29  }
0xaf: {  	s3 =	simm.s32 @!p0 $0x400;
	s4 =	simm.s32 @!p0 $0xA100;
	s2 =	sshll.u32 @!p0 s0, $0x4  }
0xb0: {  	_ =	swait.ge [sflag:s21], $0x4000;
	s0 =	sshll.u32 @!p0 s0, $0xB;
	s2 =	sand.u32 @!p0 $0x60, s2  }
0xb1: {  	[sflag:s21] =	ssyncset.done $0x0;
	s0 =	sand.u32 @!p0 $0xFFFC000, s0;
	s2 =	sadd.s32 @!p0 s1, s2  }
0xb2: {  	[sflag:s21] =	ssyncadd.s32 $0xFFFFC000;
	s0 =	sadd.s32 @!p0 s0, s2;
	s2 =	simm.s32 @!p0 $0x80  }
0xb3: {  	[tilespmem:s4], [sflag:$0x1] =	stream.strided.gather @!p0 [hbm4b:s0+s2], $0x4000, s3, s2, $0x38;
	[tilespmem:$0x1A100] =	vst v63  }
0xb4: {  	p0 =	por p0, !p1  }
0xb5: {  	_ =	swait.ge @p0 [sflag:s24], $0x4000  }
0xb6: {  	[sflag:s24] =	ssyncset.done @p0 $0x0  }
0xb7: {  	s31 =	simm.s32 $0x6140;
	[sflag:s24] =	ssyncadd.s32 @p0 $0xFFFFC000  }
0xb8: {  	v3 =	vld [tilespmem:s31+$0x30]  }
0xb9: {  	v4 =	vld [tilespmem:s31+$0xFFFFFFD0]  }
0xba: {  	v5 =	vld [tilespmem:s31+$0xFFFFFFE0]  }
0xbb: {  	v0 =	vld [tilespmem:s31+$0xFFFFFFF0]  }
0xbc: {  	s0 =	simm.s32 $0x16140;
	v1 =	vld [tilespmem:s31+$0x0]  }
0xbd: {  	v2 =	vld [tilespmem:s31+$0x10];
	[tilespmem:s0+$0x30] =	vst v3  }
0xbe: {  	[tilespmem:s0+$0xFFFFFFD0] =	vst v4;
	v3 =	vld [tilespmem:s31+$0x20]  }
0xbf: {  	s4 =	simm.s32 $0x0;
	s3 =	simm.s32 $0x61C0;
	v4 =	vld [tilespmem:s31+$0xFFFFFFC0];
	[tilespmem:s0+$0xFFFFFFE0] =	vst v5  }
.LBB2_9:
0xc0: {  	v5 =	vld [tilespmem:s3+$0x30];
	s4 =	sadd.s32 $0x8, s4;
	[tilespmem:s0+$0xFFFFFFF0] =	vst v0  }
0xc1: {  	v6 =	vld [tilespmem:s3+$0xFFFFFFD0];
	p0 =	slt.u32 s4, $0x3F8;
	[tilespmem:s0+$0x0] =	vst v1  }
0xc2: {  	v7 =	vld [tilespmem:s3+$0xFFFFFFE0];
	[tilespmem:s0+$0x10] =	vst v2  }
.Ltmp3:
0xc3: {  	v0 =	vld [tilespmem:s3+$0xFFFFFFF0];
	[tilespmem:s0+$0x20] =	vst v3;
	(pc) =	sbr.rel @p0 .LBB2_9-.Ltmp3, $4  }
0xc4: {  	v1 =	vld [tilespmem:s3+$0x0];
	[tilespmem:s0+$0xFFFFFFC0] =	vst v4;
	s0 =	sadd.s32 $0x80, s0  }
0xc5: {  	s2 =	simm.s32 $0x30A0;
	s13 =	simm.s32 $0x20;
	v2 =	vld [tilespmem:s3+$0x10];
	[tilespmem:s0+$0x30] =	vst v5  }
0xc6: {  	[tilespmem:s0+$0xFFFFFFD0] =	vst v6;
	v3 =	vld [tilespmem:s3+$0x20]  }
0xc7: {  	v4 =	vld [tilespmem:s3+$0xFFFFFFC0];
	[tilespmem:s0+$0xFFFFFFE0] =	vst v7;
	s3 =	sadd.s32 $0x80, s3  }
0xc8: {  	[tilespmem:s0+$0xFFFFFFF0] =	vst v0  }
0xc9: {  	[tilespmem:s0+$0x0] =	vst v1  }
0xca: {  	[tilespmem:s0+$0x10] =	vst v2  }
0xcb: {  	[tilespmem:s0+$0x20] =	vst v3  }
0xcc: {  	[tilespmem:s0+$0xFFFFFFC0] =	vst v4  }
0xcd: {  	v0 =	vld [tilespmem:s13+$0x10];
	_ =	sdelay $0x1  }
0xce: {  	v2 =	vld [tilespmem:s13+$0xFFFFFFE0]  }
0xcf: {  	v1 =	vld [tilespmem:s13+$0xFFFFFFF0]  }
0xd0: {  	v7 =	vld [tilespmem:s13+$0x0]  }
0xd1: {  	s31 =	simm.s32 $0x60;
	v6 =	vld [tilespmem:s2+$0x10];
	v3 =	vand.u32 $0x3FFF, v0  }
0xd2: {  	v12 =	vld [tilespmem:s31+$0x10]  }
0xd3: {  	v9 =	vld [tilespmem:s2+$0xFFFFFFE0];
	v5 =	vand.u32 $0x3FFF, v2  }
0xd4: {  	v11 =	vld [tilespmem:s31+$0xFFFFFFF0]  }
0xd5: {  	v13 =	vld [tilespmem:s31+$0x0]  }
0xd6: {  	v4 =	vand.u32 $0x3FFF, v1;
	v3 =	vld.idx.msk [tilespmem:v3+s19+$0x0], $0xffff  }
0xd7: {  	v14 =	vld [tilespmem:s31+$0xFFFFFFE0];
	v8 =	vand.u32 $0x3FFF, v7  }
0xd8: {  	v0 =	vshrl.u32 v0, $0xE;
	v5 =	vld.idx.msk [tilespmem:v5+s19+$0x0], $0xffff  }
0xd9: {  	s0 =	simm.s32 $0x30E0;
	v16 =	vld [tilespmem:s2+$0x0]  }
0xda: {  	v10 =	vld [tilespmem:s0+$0x10];
	v2 =	vshrl.u32 v2, $0xE  }
0xdb: {  	v4 =	vld.idx.msk [tilespmem:v4+s19+$0x0], $0xffff;
	v3 =	vmul.f32 v3, v6;
	v6 =	vand.u32 $0x3FFF, v12  }
0xdc: {  	v17 =	vand.u32 $0x3FFF, v14;
	v15 =	vld.idx.msk [tilespmem:v8+s19+$0x0], $0xffff  }
0xdd: {  	[tilespmem:v0+s22+$0x0] =	vst.idx.add.f32.msk $0xffff, v3;
	v0 =	vmul.f32 v5, v9  }
0xde: {  	v3 =	vld [tilespmem:s2+$0xFFFFFFF0];
	v5 =	vand.u32 $0x3FFF, v11  }
0xdf: {  	v8 =	vand.u32 $0x3FFF, v13;
	[tilespmem:v2+s22+$0x0] =	vst.idx.add.f32.msk $0xffff, v0  }
0xe0: {  	v9 =	vld.idx.msk [tilespmem:v6+s19+$0x0], $0xffff  }
0xe1: {  	v0 =	vshrl.u32 v11, $0xE;
	v11 =	vld.idx.msk [tilespmem:v17+s19+$0x0], $0xffff  }
0xe2: {  	v12 =	vshrl.u32 v12, $0xE;
	v2 =	vshrl.u32 v1, $0xE;
	v1 =	vshrl.u32 v13, $0xE;
	v13 =	vld [tilespmem:s0+$0xFFFFFFE0]  }
0xe3: {  	v5 =	vld.idx.msk [tilespmem:v5+s19+$0x0], $0xffff;
	v6 =	vmul.f32 v4, v3  }
0xe4: {  	s4 =	simm.s32 $0x4;
	s2 =	simm.s32 $0xA0;
	v4 =	vld.idx.msk [tilespmem:v8+s19+$0x0], $0xffff;
	v3 =	vshrl.u32 v7, $0xE;
	v8 =	vshrl.u32 v14, $0xE;
	v7 =	vmul.f32 v15, v16  }
.LBB2_11:
0xe5: {  	v14 =	vld [tilespmem:s2+$0x10];
	s4 =	sadd.s32 $0x4, s4;
	v9 =	vmul.f32 v9, v10  }
0xe6: {  	v10 =	vld [tilespmem:s2+$0xFFFFFFF0];
	p0 =	slt.u32 s4, $0x2FC  }
0xe7: {  	[tilespmem:v12+s22+$0x0] =	vst.idx.add.f32.msk $0xffff, v9  }
0xe8: {  	v9 =	vld [tilespmem:s2+$0x0]  }
0xe9: {  	v12 =	vld [tilespmem:s2+$0xFFFFFFE0];
	v11 =	vmul.f32 v11, v13  }
0xea: {  	v13 =	vand.u32 $0x3FFF, v14;
	v15 =	vld [tilespmem:s0+$0xFFFFFFF0]  }
0xeb: {  	v16 =	vshrl.u32 v10, $0xE;
	v17 =	vand.u32 $0x3FFF, v10;
	v18 =	vld [tilespmem:s0+$0x0]  }
0xec: {  	[tilespmem:v8+s22+$0x0] =	vst.idx.add.f32.msk $0xffff, v11  }
0xed: {  	v10 =	vshrl.u32 v9, $0xE;
	v11 =	vand.u32 $0x3FFF, v9;
	[tilespmem:v2+s22+$0x0] =	vst.idx.add.f32.msk $0xffff, v6;
	v2 =	vmovc v0;
	v0 =	vmov v16  }
0xee: {  	v8 =	vshrl.u32 v12, $0xE;
	v16 =	vand.u32 $0x3FFF, v12;
	[tilespmem:v3+s22+$0x0] =	vst.idx.add.f32.msk $0xffff, v7;
	v3 =	vmovc v1;
	v1 =	vmov v10  }
0xef: {  	s0 =	sadd.s32 $0x40, s0;
	v9 =	vld.idx.msk [tilespmem:v13+s19+$0x0], $0xffff;
	v6 =	vmul.f32 v5, v15  }
.Ltmp4:
0xf0: {  	v10 =	vld [tilespmem:s0+$0x10];
	v7 =	vmul.f32 v4, v18;
	(pc) =	sbr.rel @p0 .LBB2_11-.Ltmp4, $4  }
0xf1: {  	v5 =	vld.idx.msk [tilespmem:v17+s19+$0x0], $0xffff  }
0xf2: {  	v12 =	vshrl.u32 v14, $0xE;
	v4 =	vld.idx.msk [tilespmem:v11+s19+$0x0], $0xffff  }
0xf3: {  	v11 =	vld.idx.msk [tilespmem:v16+s19+$0x0], $0xffff  }
0xf4: {  	s2 =	sadd.s32 $0x40, s2;
	v13 =	vld [tilespmem:s0+$0xFFFFFFE0]  }
0xf5: {  	_ = 	snop  }
0xf6: {  	v14 =	vld [tilespmem:s0+$0xFFFFFFF0]  }
0xf7: {  	v60 =	vld [tilespmem:s0+$0x0];
	_ =	sdelay $0x1  }
0xf8: {  	v9 =	vmul.f32 v9, v10;
	[tilespmem:v2+s22+$0x0] =	vst.idx.add.f32.msk $0xffff, v6  }
0xf9: {  	[tilespmem:v3+s22+$0x0] =	vst.idx.add.f32.msk $0xffff, v7;
	v11 =	vmul.f32 v11, v13  }
0xfa: {  	[tilespmem:v12+s22+$0x0] =	vst.idx.add.f32.msk $0xffff, v9;
	v61 =	vmul.f32 v5, v14  }
0xfb: {  	v62 =	vmul.f32 v4, v60;
	[tilespmem:v8+s22+$0x0] =	vst.idx.add.f32.msk $0xffff, v11  }
0xfc: {  	[tilespmem:v0+s22+$0x0] =	vst.idx.add.f32.msk $0xffff, v61  }
0xfd: {  	[tilespmem:v1+s22+$0x0] =	vst.idx.add.f32.msk $0xffff, v62  }
0xfe: {  	v0 =	vld [tilespmem:$0x3000];
	_ =	sdelay $0x4  }
0xff: {  	v63 =	vand.u32 $0x3FFF, v0;
	_ =	sdelay $0x3  }
0x100: {  	v2 =	vld [tilespmem:$0x6080]  }
0x101: {  	v1 =	vld.idx.msk [tilespmem:v63+s19+$0x0], $0xffff;
	_ =	sdelay $0x1  }
0x102: {  	s26 =	sadd.s32 $0x1, s26;
	v0 =	vshrl.u32 v0, $0xE  }
0x103: {  	p0 =	sne.s32 s26, $0x40  }
.Ltmp5:
0x104: {  	_ = 	snop;
	(pc) =	sbr.rel @p0 .LBB2_4-.Ltmp5, $3  }
0x105: {  	v1 =	vmul.f32 v1, v2;
	_ =	sdelay $0x1  }
0x106: {  	s31 =	sadd.s32 s5, s28;
	[tilespmem:v0+s22+$0x0] =	vst.idx.add.f32.msk $0xffff, v1  }
0x107: {  	[hbm4b:s31+s16] =	stream.strided.scatter [tilespmem:s22], [sflag:$0x4], $0x4000, s17, s16, $0x38;
	[tilespmem:$0x1A100] =	vst v63  }
0x108: {  	s25 =	sadd.s32 $0x1, s25  }
0x109: {  	_ =	swait.ge [sflag:s23], $0x4000;
	p0 =	sne.s32 s25, s11  }
.Ltmp6:
0x10a: {  	[sflag:s23] =	ssyncset.done $0x0;
	(pc) =	sbr.rel @p0 .LBB2_1-.Ltmp6, $4  }
0x10b: {  	[sflag:s23] =	ssyncadd.s32 $0xFFFFC000  }
0x10c: {  	_ =	swait.ge [sflag:s24], $0x4000  }
0x10d: {  	[sflag:s24] =	ssyncset.done $0x0  }
0x10e: {  	[sflag:s24] =	ssyncadd.s32 $0xFFFFC000  }
0x10f: {  	_ =	sfence.sel $0x180000  }
0x110: {  	[bflag:$0x0] =	sbarrier.arrive $0xFFFF  }
0x111: {  	_ =	strace $0x90000047  }
0x112: {  	s0 =	stileid.u32;
	[bflag:$0x2] =	sbarrier.arrive $0xFFFF  }
0x113: {  	p0 =	sne.s32 s0, $0x0;
	s0 =	rddreg [dreg:$0x5]  }
0x114: {  	s0 =	sadd.s32 @!p0 $0x100000, s0  }
0x115: {  	[sflag:s0] =	ssyncadd.tile.s32 @!p0 $0x1;
	_ =	shalt  }
.Lfunc_end2:
_tile_overlayer_lowered:
.L_overlay_start_2:
0x116: {  	(tag) =	ssettag $0x2  }
0x117: {  	s0 =	rddreg [dreg:$0x0];
	s2 =	stileid.u32  }
0x118: {  	s1 =	rddreg [dreg:$0x1];
	p0 =	sne.s32 s2, $0x0  }
0x119: {  	s3 =	rddreg [dreg:$0x2];
	[bflag:$0x3] =	sbarrier.arrive $0xFFFF;
	s2 =	simm.s32 @!p0 $0x1C05  }
0x11a: {  	[timem:s3], [sflag:s2] =	dma.local @!p0 [hbm:s0], s1  }
0x11b: {  	s0 =	simm.s32 @!p0 $0x5  }
0x11c: {  	_ =	swait.ge @!p0 [sflag:s0], s1  }
0x11d: {  	s1 =	ssub.s32 @!p0 $0x0, s1;
	[sflag:s0] =	ssyncset.done @!p0 $0x0  }
0x11e: {  	[sflag:s0] =	ssyncadd.s32 @!p0 s1  }
0x11f: {  	[bflag:$0x3] =	sbarrier.arrive $0xFFFF  }
0x120: {  	_ =	shalt  }

</sc_bundles>
